<compile_context>
chip_gen: v7x
topology: tpu7x:2x2x1
jax: 0.10.2.dev20260603
libtpu: 0.0.44.dev20260713+nightly
codegen_flags: <defaults>
</compile_context>

<pallas_src>
import functools

import jax
import jax.numpy as jnp
from jax import lax
from jax.experimental import pallas as pl
from jax.experimental.pallas import tpu as pltpu
from jax.experimental.pallas import tpu_sc as plsc

V = 1000
VP = 1024
N = 51200
NC, NS = 2, 16
NW = NC * NS
BPW = N // NW
CHUNK = 64
NCHUNK = BPW // CHUNK
L = 16


def _tc_prep(embedding):
    def body(x_ref, op_ref, ol_ref):
        rows = x_ref[...]
        op_ref[:, :V] = rows
        m = jnp.max(rows, axis=1, keepdims=True)
        s = jnp.sum(jnp.exp(rows - m), axis=1, keepdims=True)
        ol_ref[...] = m + jnp.log(s)

    return pl.pallas_call(
        body,
        in_specs=[pl.BlockSpec((V, V), lambda: (0, 0))],
        out_specs=[
            pl.BlockSpec((V, VP), lambda: (0, 0)),
            pl.BlockSpec((V, 1), lambda: (0, 0)),
        ],
        out_shape=[
            jax.ShapeDtypeStruct((V, VP), jnp.float32),
            jax.ShapeDtypeStruct((V, 1), jnp.float32),
        ],
    )(embedding)


def _sc_gather_and_nll(table_p, lse_flat, idx_flat, tgt_flat):
    mesh = plsc.VectorSubcoreMesh(core_axis_name="c", subcore_axis_name="s")

    @functools.partial(
        pl.kernel,
        out_type=[
            jax.ShapeDtypeStruct((N, VP), jnp.float32),
            jax.ShapeDtypeStruct((NW, L), jnp.float32),
        ],
        mesh=mesh,
        compiler_params=pltpu.CompilerParams(needs_layout_passes=False),
        scratch_types=[
            pltpu.VMEM((BPW,), jnp.int32),
            pltpu.VMEM((BPW,), jnp.int32),
            pltpu.VMEM((V,), jnp.float32),
            pltpu.VMEM((CHUNK, VP), jnp.float32),
            pltpu.VMEM((L,), jnp.float32),
            pltpu.SemaphoreType.DMA,
            pltpu.SemaphoreType.DMA,
        ],
    )
    def k(table_hbm, lse_hbm, idx_hbm, tgt_hbm, out_hbm, part_hbm,
          idx_v, tgt_v, lse_v, buf, acc_v, sem_g, sem_w):
        wid = lax.axis_index("s") * NC + lax.axis_index("c")
        base = wid * BPW
        pltpu.sync_copy(idx_hbm.at[pl.ds(base, BPW)], idx_v)
        pltpu.sync_copy(tgt_hbm.at[pl.ds(base, BPW)], tgt_v)
        pltpu.sync_copy(lse_hbm, lse_v)
        acc_v[...] = jnp.zeros((L,), jnp.float32)
        row_iota = lax.iota(jnp.int32, L)

        @pl.loop(0, NCHUNK)
        def _(c):
            off = c * CHUNK

            @pl.when(c > 0)
            def _():
                pltpu.make_async_copy(
                    buf, out_hbm.at[pl.ds(base + off - CHUNK, CHUNK)], sem_w
                ).wait()

            pltpu.async_copy(
                table_hbm.at[idx_v.at[pl.ds(off, CHUNK)]], buf, sem_g
            ).wait()
            pltpu.async_copy(
                buf, out_hbm.at[pl.ds(base + off, CHUNK)], sem_w)

            @pl.loop(0, CHUNK, step=L)
            def _(j):
                t_reg = tgt_v[pl.ds(off + j, L)]
                i_reg = idx_v[pl.ds(off + j, L)]
                vals = plsc.load_gather(buf, [row_iota + j, t_reg])
                lses = plsc.load_gather(lse_v, [i_reg])
                acc_v[...] = acc_v[...] + (lses - vals)

        pltpu.make_async_copy(
            buf, out_hbm.at[pl.ds(base + BPW - CHUNK, CHUNK)], sem_w
        ).wait()
        pltpu.sync_copy(acc_v, part_hbm.at[wid])

    return k(table_p, lse_flat, idx_flat, tgt_flat)


def kernel(idx, targets, embedding):
    idx_flat = idx.reshape(-1)
    tgt_flat = targets.reshape(-1)
    emb_p, lse_col = _tc_prep(embedding)
    lse_flat = lse_col.reshape(-1)
    out_p, parts = _sc_gather_and_nll(emb_p, lse_flat, idx_flat, tgt_flat)
    return out_p[:, :V], jnp.sum(parts) / jnp.float32(N)

# --- scband reference (transcript-rebuilt; emitter-appended) ---
"""Pipeline reference for scband-bigram-language-model-84155589198751 (READ-ONLY COPY).

The authoritative reference and input builder live on the scoring server;
editing this copy changes nothing except your own understanding.
"""

import jax, jax.numpy as jnp
import numpy as np

VOCAB = 1000
B, T = 1024, 50


def setup_inputs(seed: int = 0) -> dict:
    key = jax.random.key(seed)
    k1, k2, k3 = jax.random.split(key, 3)
    idx = jax.random.randint(k1, (B, T), 0, VOCAB, dtype=jnp.int32)
    targets = jax.random.randint(k2, (B, T), 0, VOCAB, dtype=jnp.int32)
    # nn.Embedding default init: N(0, 1)
    embedding = jax.random.normal(k3, (VOCAB, VOCAB), dtype=jnp.float32)
    return {"idx": idx, "targets": targets, "embedding": embedding}


def reference(idx, targets, embedding):
    Bb, Tt = idx.shape
    logits = jnp.take(embedding, idx, axis=0)  # [B, T, V]
    # targets provided -> reshape and compute cross entropy, as in torch forward
    logits = logits.reshape(Bb * Tt, -1)
    t = targets.reshape(Bb * Tt)
    logp = jax.nn.log_softmax(logits, axis=-1)
    nll = -jnp.take_along_axis(logp, t[:, None], axis=1)[:, 0]
    loss = jnp.mean(nll)
    return (logits, loss)

if __name__ == "__main__":
    import jax
    _d = setup_inputs()
    print(jax.jit(kernel)(*tuple(_d.values())))

</pallas_src>

<mosaic_0001>
#map = affine_map<(d0, d1) -> (0, 0)>
#map1 = affine_map<(d0, d1) -> (0)>
module attributes {stable_mosaic.version = 14 : i64} {
  func.func @k(%arg0: i32, %arg1: i32, %arg2: memref<1000x1024xf32, #tpu.memory_space<hbm>>, %arg3: memref<1000xf32, #tpu.memory_space<hbm>>, %arg4: memref<51200xi32, #tpu.memory_space<hbm>>, %arg5: memref<51200xi32, #tpu.memory_space<hbm>>, %arg6: memref<51200x1024xf32, #tpu.memory_space<hbm>>, %arg7: memref<32x16xf32, #tpu.memory_space<hbm>>, %arg8: memref<1600xi32, #tpu.memory_space<vmem>>, %arg9: memref<1600xi32, #tpu.memory_space<vmem>>, %arg10: memref<1000xf32, #tpu.memory_space<vmem>>, %arg11: memref<64x1024xf32, #tpu.memory_space<vmem>>, %arg12: memref<16xf32, #tpu.memory_space<vmem>>, %arg13: memref<!tpu.dma_semaphore, #tpu.memory_space<semaphore_mem>>, %arg14: memref<!tpu.dma_semaphore, #tpu.memory_space<semaphore_mem>>) attributes {dimension_semantics = [#tpu.dimension_semantics<core_parallel>, #tpu.dimension_semantics<subcore_parallel>], iteration_bounds = array<i64: 2, 16>, scalar_prefetch = 0 : i64, scratch_operands = 7 : i64, tpu.core_type = #tpu.core_type<sc_vector_subcore>, window_params = [{transform_indices = #map}, {transform_indices = #map1}, {transform_indices = #map1}, {transform_indices = #map1}, {transform_indices = #map}, {transform_indices = #map}]} {
    %mul3A = arith.constant 2 : i32
    %mul3A_0 = arith.muli %arg1, %mul3A : i32
    %add3A = arith.addi %mul3A_0, %arg0 : i32
    %mul3A_1 = arith.constant 1600 : i32
    %mul3A_2 = arith.muli %add3A, %mul3A_1 : i32
    "tpu.region"() ({
      %run_scoped3A = tpu.sem_alloc : memref<!tpu.dma_semaphore, #tpu.memory_space<semaphore_mem>>
      %dma_start3A = tpu.memref_slice %arg4[%mul3A_2] : memref<51200xi32, #tpu.memory_space<hbm>> -> memref<1600xi32, #tpu.memory_space<hbm>>
      %dma_start3A_15 = tpu.memref_slice %arg4[%mul3A_2] : memref<51200xi32, #tpu.memory_space<hbm>> -> memref<1600xi32, #tpu.memory_space<hbm>>
      tpu.enqueue_dma source(%dma_start3A_15 : memref<1600xi32, #tpu.memory_space<hbm>>) target(%arg8 : memref<1600xi32, #tpu.memory_space<vmem>>) target_semaphore(%run_scoped3A : memref<!tpu.dma_semaphore, #tpu.memory_space<semaphore_mem>>)
      %dma_wait3A_16 = tpu.memref_slice %arg4[%mul3A_2] : memref<51200xi32, #tpu.memory_space<hbm>> -> memref<1600xi32, #tpu.memory_space<hbm>>
      %dma_wait3A_17 = tpu.memref_slice %arg4[%mul3A_2] : memref<51200xi32, #tpu.memory_space<hbm>> -> memref<1600xi32, #tpu.memory_space<hbm>>
      tpu.wait_dma2 semaphore(%run_scoped3A : memref<!tpu.dma_semaphore, #tpu.memory_space<semaphore_mem>>) src(%dma_wait3A_17 : memref<1600xi32, #tpu.memory_space<hbm>>) dst(%arg8 : memref<1600xi32, #tpu.memory_space<vmem>>)
      tpu.yield
    }) : () -> ()
    "tpu.region"() ({
      %run_scoped3A = tpu.sem_alloc : memref<!tpu.dma_semaphore, #tpu.memory_space<semaphore_mem>>
      %dma_start3A = tpu.memref_slice %arg5[%mul3A_2] : memref<51200xi32, #tpu.memory_space<hbm>> -> memref<1600xi32, #tpu.memory_space<hbm>>
      %dma_start3A_15 = tpu.memref_slice %arg5[%mul3A_2] : memref<51200xi32, #tpu.memory_space<hbm>> -> memref<1600xi32, #tpu.memory_space<hbm>>
      tpu.enqueue_dma source(%dma_start3A_15 : memref<1600xi32, #tpu.memory_space<hbm>>) target(%arg9 : memref<1600xi32, #tpu.memory_space<vmem>>) target_semaphore(%run_scoped3A : memref<!tpu.dma_semaphore, #tpu.memory_space<semaphore_mem>>)
      %dma_wait3A_16 = tpu.memref_slice %arg5[%mul3A_2] : memref<51200xi32, #tpu.memory_space<hbm>> -> memref<1600xi32, #tpu.memory_space<hbm>>
      %dma_wait3A_17 = tpu.memref_slice %arg5[%mul3A_2] : memref<51200xi32, #tpu.memory_space<hbm>> -> memref<1600xi32, #tpu.memory_space<hbm>>
      tpu.wait_dma2 semaphore(%run_scoped3A : memref<!tpu.dma_semaphore, #tpu.memory_space<semaphore_mem>>) src(%dma_wait3A_17 : memref<1600xi32, #tpu.memory_space<hbm>>) dst(%arg9 : memref<1600xi32, #tpu.memory_space<vmem>>)
      tpu.yield
    }) : () -> ()
    "tpu.region"() ({
      %run_scoped3A = tpu.sem_alloc : memref<!tpu.dma_semaphore, #tpu.memory_space<semaphore_mem>>
      tpu.enqueue_dma source(%arg3 : memref<1000xf32, #tpu.memory_space<hbm>>) target(%arg10 : memref<1000xf32, #tpu.memory_space<vmem>>) target_semaphore(%run_scoped3A : memref<!tpu.dma_semaphore, #tpu.memory_space<semaphore_mem>>)
      tpu.wait_dma2 semaphore(%run_scoped3A : memref<!tpu.dma_semaphore, #tpu.memory_space<semaphore_mem>>) src(%arg3 : memref<1000xf32, #tpu.memory_space<hbm>>) dst(%arg10 : memref<1000xf32, #tpu.memory_space<vmem>>)
      tpu.yield
    }) : () -> ()
    %broadcast_in_dim3A = arith.constant 0.000000e+00 : f32
    %broadcast_in_dim3A_3 = vector.broadcast %broadcast_in_dim3A : f32 to vector<16xf32>
    %swap3A = arith.constant 0 : index
    %swap3A_4 = tpu.vector_load %arg12[%swap3A] {strides = array<i32>} : memref<16xf32, #tpu.memory_space<vmem>>, vector<16xf32>,
    tpu.vector_store %arg12[%swap3A], %broadcast_in_dim3A_3 {strides = array<i32>} : memref<16xf32, #tpu.memory_space<vmem>>, vector<16xf32>,
    %iota3A = tpu.iota {dimensions = array<i32: 0>} : vector<16xi32>
    %scan3A = arith.constant 0 : i32
    %scan3A_5 = arith.constant 25 : i32
    %scan3A_6 = arith.addi %scan3A, %scan3A_5 : i32
    %scan3A_7 = arith.constant 1 : i32
    scf.for %scan3A_15 = %scan3A to %scan3A_6 step %scan3A_7  : i32 {
      %mul3A_16 = arith.constant 1 : i32
      %mul3A_17 = arith.muli %scan3A_15, %mul3A_16 : i32
      %add3A_18 = arith.constant 0 : i32
      %add3A_19 = arith.addi %add3A_18, %mul3A_17 : i32
      %mul3A_20 = arith.constant 64 : i32
      %mul3A_21 = arith.muli %add3A_19, %mul3A_20 : i32
      %gt3A = arith.constant 0 : i32
      %gt3A_22 = arith.cmpi sgt, %add3A_19, %gt3A : i32
      %convert_element_type3A = arith.extui %gt3A_22 : i1 to i32
      %cond3A = arith.constant 0 : i32
      %cond3A_23 = arith.cmpi ne, %convert_element_type3A, %cond3A : i32
      scf.if %cond3A_23 {
        %add3A_41 = arith.addi %mul3A_2, %mul3A_21 : i32
        %sub3A_42 = arith.constant 64 : i32
        %sub3A_43 = arith.subi %add3A_41, %sub3A_42 : i32
        %dma_wait3A_44 = arith.constant 0 : i32
        %dma_wait3A_45 = tpu.memref_slice %arg6[%sub3A_43, %dma_wait3A_44] : memref<51200x1024xf32, #tpu.memory_space<hbm>> -> memref<64x1024xf32, #tpu.memory_space<hbm>>
        %dma_wait3A_46 = arith.constant 0 : i32
        %dma_wait3A_47 = tpu.memref_slice %arg6[%sub3A_43, %dma_wait3A_46] : memref<51200x1024xf32, #tpu.memory_space<hbm>> -> memref<64x1024xf32, #tpu.memory_space<hbm>>
        tpu.wait_dma2 semaphore(%arg14 : memref<!tpu.dma_semaphore, #tpu.memory_space<semaphore_mem>>) src(%arg11 : memref<64x1024xf32, #tpu.memory_space<vmem>>) dst(%dma_wait3A_47 : memref<64x1024xf32, #tpu.memory_space<hbm>>)
      } else {
      }
      %dma_start3A = tpu.memref_slice %arg8[%mul3A_21] : memref<1600xi32, #tpu.memory_space<vmem>> -> memref<64xi32, #tpu.memory_space<vmem>>
      %dma_start3A_24 = arith.constant 0 : i32
      %dma_start3A_25 = arith.constant 0 : i32
      %dma_start3A_26 = tpu.memref_slice %arg2[%dma_start3A_24, %dma_start3A_25] : memref<1000x1024xf32, #tpu.memory_space<hbm>> -> memref<1000x1024xf32, #tpu.memory_space<hbm>>
      tpu.enqueue_indirect_dma source(%dma_start3A_26 : memref<1000x1024xf32, #tpu.memory_space<hbm>>) target(%arg11 : memref<64x1024xf32, #tpu.memory_space<vmem>>) offsets(%dma_start3A : memref<64xi32, #tpu.memory_space<vmem>>) semaphore(%arg13 : memref<!tpu.dma_semaphore, #tpu.memory_space<semaphore_mem>>)
      %dma_wait3A_27 = tpu.memref_slice %arg8[%mul3A_21] : memref<1600xi32, #tpu.memory_space<vmem>> -> memref<64xi32, #tpu.memory_space<vmem>>
      %dma_wait3A_28 = arith.constant 0 : i32
      %dma_wait3A_29 = arith.constant 0 : i32
      %dma_wait3A_30 = tpu.memref_slice %arg2[%dma_wait3A_28, %dma_wait3A_29] : memref<1000x1024xf32, #tpu.memory_space<hbm>> -> memref<1000x1024xf32, #tpu.memory_space<hbm>>
      tpu.wait_indirect_dma semaphore(%arg13 : memref<!tpu.dma_semaphore, #tpu.memory_space<semaphore_mem>>) src(%dma_wait3A_30 : memref<1000x1024xf32, #tpu.memory_space<hbm>>) dst(%arg11 : memref<64x1024xf32, #tpu.memory_space<vmem>>)
      %add3A_31 = arith.addi %mul3A_2, %mul3A_21 : i32
      %dma_start3A_32 = arith.constant 0 : i32
      %dma_start3A_33 = tpu.memref_slice %arg6[%add3A_31, %dma_start3A_32] : memref<51200x1024xf32, #tpu.memory_space<hbm>> -> memref<64x1024xf32, #tpu.memory_space<hbm>>
      %dma_start3A_34 = arith.constant 0 : i32
      %dma_start3A_35 = tpu.memref_slice %arg6[%add3A_31, %dma_start3A_34] : memref<51200x1024xf32, #tpu.memory_space<hbm>> -> memref<64x1024xf32, #tpu.memory_space<hbm>>
      tpu.enqueue_dma source(%arg11 : memref<64x1024xf32, #tpu.memory_space<vmem>>) target(%dma_start3A_35 : memref<64x1024xf32, #tpu.memory_space<hbm>>) target_semaphore(%arg14 : memref<!tpu.dma_semaphore, #tpu.memory_space<semaphore_mem>>)
      %scan3A_36 = arith.constant 0 : i32
      %scan3A_37 = arith.constant 4 : i32
      %scan3A_38 = arith.addi %scan3A_36, %scan3A_37 : i32
      %scan3A_39 = arith.constant 1 : i32
      scf.for %scan3A_41 = %scan3A_36 to %scan3A_38 step %scan3A_39  : i32 {
        %mul3A_42 = arith.constant 16 : i32
        %mul3A_43 = arith.muli %scan3A_41, %mul3A_42 : i32
        %add3A_44 = arith.constant 0 : i32
        %add3A_45 = arith.addi %add3A_44, %mul3A_43 : i32
        %add3A_46 = arith.addi %mul3A_21, %add3A_45 : i32
        %get3A = arith.index_cast %add3A_46 : i32 to index
        %get3A_47 = tpu.vector_load %arg9[%get3A] {strides = array<i32>} : memref<1600xi32, #tpu.memory_space<vmem>>, vector<16xi32>,
        %add3A_48 = arith.addi %mul3A_21, %add3A_45 : i32
        %get3A_49 = arith.index_cast %add3A_48 : i32 to index
        %get3A_50 = tpu.vector_load %arg8[%get3A_49] {strides = array<i32>} : memref<1600xi32, #tpu.memory_space<vmem>>, vector<16xi32>,
        %add3A_51 = vector.broadcast %add3A_45 : i32 to vector<16xi32>
        %add3A_52 = arith.addi %iota3A, %add3A_51 : vector<16xi32>
        %gather3A = tpu.vector_load_idx %arg11[%add3A_52, %get3A_47] : memref<64x1024xf32, #tpu.memory_space<vmem>>[vector<16xi32>, vector<16xi32>], vector<16xf32>,
        %gather3A_53 = tpu.vector_load_idx %arg10[%get3A_50] : memref<1000xf32, #tpu.memory_space<vmem>>[vector<16xi32>], vector<16xf32>,
        %get3A_54 = arith.constant 0 : index
        %get3A_55 = tpu.vector_load %arg12[%get3A_54] {strides = array<i32>} : memref<16xf32, #tpu.memory_space<vmem>>, vector<16xf32>,
        %sub3A_56 = arith.subf %gather3A_53, %gather3A : vector<16xf32>
        %add3A_57 = arith.addf %get3A_55, %sub3A_56 : vector<16xf32>
        %swap3A_58 = arith.constant 0 : index
        %swap3A_59 = tpu.vector_load %arg12[%swap3A_58] {strides = array<i32>} : memref<16xf32, #tpu.memory_space<vmem>>, vector<16xf32>,
        tpu.vector_store %arg12[%swap3A_58], %add3A_57 {strides = array<i32>} : memref<16xf32, #tpu.memory_space<vmem>>, vector<16xf32>,
      }
      %scan3A_40 = arith.constant 4 : i32
    }
    %scan3A_8 = arith.constant 25 : i32
    %add3A_9 = arith.constant 1600 : i32
    %add3A_10 = arith.addi %mul3A_2, %add3A_9 : i32
    %sub3A = arith.constant 64 : i32
    %sub3A_11 = arith.subi %add3A_10, %sub3A : i32
    %dma_wait3A = arith.constant 0 : i32
    %dma_wait3A_12 = tpu.memref_slice %arg6[%sub3A_11, %dma_wait3A] : memref<51200x1024xf32, #tpu.memory_space<hbm>> -> memref<64x1024xf32, #tpu.memory_space<hbm>>
    %dma_wait3A_13 = arith.constant 0 : i32
    %dma_wait3A_14 = tpu.memref_slice %arg6[%sub3A_11, %dma_wait3A_13] : memref<51200x1024xf32, #tpu.memory_space<hbm>> -> memref<64x1024xf32, #tpu.memory_space<hbm>>
    tpu.wait_dma2 semaphore(%arg14 : memref<!tpu.dma_semaphore, #tpu.memory_space<semaphore_mem>>) src(%arg11 : memref<64x1024xf32, #tpu.memory_space<vmem>>) dst(%dma_wait3A_14 : memref<64x1024xf32, #tpu.memory_space<hbm>>)
    "tpu.region"() ({
      %run_scoped3A = tpu.sem_alloc : memref<!tpu.dma_semaphore, #tpu.memory_space<semaphore_mem>>
      %dma_start3A = arith.constant 0 : i32
      %dma_start3A_15 = tpu.memref_slice %arg7[%add3A, %dma_start3A] : memref<32x16xf32, #tpu.memory_space<hbm>> -> memref<1x16xf32, #tpu.memory_space<hbm>>
      %dma_start3A_16 = tpu.memref_squeeze %dma_start3A_15 : memref<1x16xf32, #tpu.memory_space<hbm>> -> memref<16xf32, #tpu.memory_space<hbm>>
      %dma_start3A_17 = arith.constant 0 : i32
      %dma_start3A_18 = tpu.memref_slice %arg7[%add3A, %dma_start3A_17] : memref<32x16xf32, #tpu.memory_space<hbm>> -> memref<1x16xf32, #tpu.memory_space<hbm>>
      %dma_start3A_19 = tpu.memref_squeeze %dma_start3A_18 : memref<1x16xf32, #tpu.memory_space<hbm>> -> memref<16xf32, #tpu.memory_space<hbm>>
      tpu.enqueue_dma source(%arg12 : memref<16xf32, #tpu.memory_space<vmem>>) target(%dma_start3A_19 : memref<16xf32, #tpu.memory_space<hbm>>) target_semaphore(%run_scoped3A : memref<!tpu.dma_semaphore, #tpu.memory_space<semaphore_mem>>)
      %dma_wait3A_20 = arith.constant 0 : i32
      %dma_wait3A_21 = tpu.memref_slice %arg7[%add3A, %dma_wait3A_20] : memref<32x16xf32, #tpu.memory_space<hbm>> -> memref<1x16xf32, #tpu.memory_space<hbm>>
      %dma_wait3A_22 = tpu.memref_squeeze %dma_wait3A_21 : memref<1x16xf32, #tpu.memory_space<hbm>> -> memref<16xf32, #tpu.memory_space<hbm>>
      %dma_wait3A_23 = arith.constant 0 : i32
      %dma_wait3A_24 = tpu.memref_slice %arg7[%add3A, %dma_wait3A_23] : memref<32x16xf32, #tpu.memory_space<hbm>> -> memref<1x16xf32, #tpu.memory_space<hbm>>
      %dma_wait3A_25 = tpu.memref_squeeze %dma_wait3A_24 : memref<1x16xf32, #tpu.memory_space<hbm>> -> memref<16xf32, #tpu.memory_space<hbm>>
      tpu.wait_dma2 semaphore(%run_scoped3A : memref<!tpu.dma_semaphore, #tpu.memory_space<semaphore_mem>>) src(%arg12 : memref<16xf32, #tpu.memory_space<vmem>>) dst(%dma_wait3A_25 : memref<16xf32, #tpu.memory_space<hbm>>)
      tpu.yield
    }) : () -> ()
    return
  }
}

module attributes {stable_mosaic.version = 14 : i64} {
  func.func @body(%arg0: memref<1000x1000xf32, #tpu.memory_space<vmem>>, %arg1: memref<1000x1024xf32, #tpu.memory_space<vmem>>, %arg2: memref<1000x1xf32, #tpu.memory_space<vmem>>) attributes {dimension_semantics = [], scalar_prefetch = 0 : i64, scratch_operands = 0 : i64, tpu.core_type = #tpu.core_type<tc>} {
    %get3A = arith.constant 0 : index
    %get3A_0 = arith.constant 0 : index
    %get3A_1 = vector.load %arg0[%get3A, %get3A_0] : memref<1000x1000xf32, #tpu.memory_space<vmem>>, vector<1000x1000xf32>
    %swap3A = arith.constant 0 : index
    %swap3A_2 = arith.constant 0 : index
    %swap3A_3 = vector.load %arg1[%swap3A, %swap3A_2] : memref<1000x1024xf32, #tpu.memory_space<vmem>>, vector<1000x1000xf32>
    tpu.vector_store %arg1[%swap3A, %swap3A_2], %get3A_1 {strides = array<i32>} : memref<1000x1024xf32, #tpu.memory_space<vmem>>, vector<1000x1000xf32>,
    %reduce_max3A = arith.constant dense<0xFF800000> : vector<1000xf32>
    %reduce_max3A_4 = vector.multi_reduction <maximumf>, %get3A_1, %reduce_max3A [1] : vector<1000x1000xf32> to vector<1000xf32>
    %broadcast_in_dim3A = vector.shape_cast %reduce_max3A_4 : vector<1000xf32> to vector<1000x1xf32>
    %sub3A = vector.broadcast %broadcast_in_dim3A : vector<1000x1xf32> to vector<1000x1000xf32>
    %sub3A_5 = arith.subf %get3A_1, %sub3A : vector<1000x1000xf32>
    %exp3A = math.exp %sub3A_5 : vector<1000x1000xf32>
    %reduce_sum3A = arith.constant dense<0.000000e+00> : vector<1000xf32>
    %reduce_sum3A_6 = vector.multi_reduction <add>, %exp3A, %reduce_sum3A [1] : vector<1000x1000xf32> to vector<1000xf32>
    %broadcast_in_dim3A_7 = vector.shape_cast %reduce_sum3A_6 : vector<1000xf32> to vector<1000x1xf32>
    %log3A = math.log %broadcast_in_dim3A_7 : vector<1000x1xf32>
    %add3A = arith.addf %broadcast_in_dim3A, %log3A : vector<1000x1xf32>
    %swap3A_8 = arith.constant 0 : index
    %swap3A_9 = arith.constant 0 : index
    %swap3A_10 = vector.load %arg2[%swap3A_8, %swap3A_9] : memref<1000x1xf32, #tpu.memory_space<vmem>>, vector<1000x1xf32>
    tpu.vector_store %arg2[%swap3A_8, %swap3A_9], %add3A {strides = array<i32>} : memref<1000x1xf32, #tpu.memory_space<vmem>>, vector<1000x1xf32>,
    return
  }
}

</mosaic_0001>

<sc_bundles>
// kernel: kernel.4.cloned.1.call-start
scs
__scs_entry_jumppad:
0x0: {  	(pc) =	sbr.rel $0x88, $3  }
0x1: {  	(tag) =	ssettag $0x0;
	lr =	simm.s32 $0x1  }
0x2: {  	[smem:$0x3F9E] =	sst lr;
	_ =	strace $0xD0000000  }
0x3: {  	_ = 	snop  }
0x4: {  	_ = 	snop  }
0x5: {  	_ = 	snop  }
0x6: {  	_ = 	snop  }
0x7: {  	_ = 	snop  }
__scs_overlays_trampoline_lowered:
0x8: {  	[smem:$0x3FAD] =	sst s0  }
0x9: {  	[smem:$0x3FAE] =	sst s1  }
0xa: {  	[smem:$0x3FAF] =	sst s2  }
0xb: {  	[smem:$0x3FB0] =	sst s3  }
0xc: {  	[smem:$0x3FB1] =	sst s4  }
0xd: {  	[smem:$0x3FB2] =	sst s5  }
0xe: {  	[smem:$0x3FB3] =	sst s6  }
0xf: {  	[smem:$0x3FB4] =	sst s7  }
0x10: {  	[smem:$0x3FB5] =	sst s8  }
0x11: {  	[smem:$0x3FB6] =	sst s9;
	s0 =	simm.s32 @!p0 $0x0  }
0x12: {  	s1 =	sld [smem:$0x3F9C];
	s0 =	simm.s32 @p0 $0x1  }
0x13: {  	[smem:$0x3FB7] =	sst s0;
	s0 =	simm.s32 @!p1 $0x0  }
0x14: {  	s2 =	sld [smem:$0x3F9B];
	s0 =	simm.s32 @p1 $0x1  }
0x15: {  	[smem:$0x3FB8] =	sst s0;
	s0 =	simm.s32 @!p2 $0x0  }
0x16: {  	s3 =	sld [smem:$0x3FDB];
	s0 =	simm.s32 @p2 $0x1  }
0x17: {  	s4 =	simm.s32 $0x1BF5;
	[smem:$0x3FBA] =	sst s0  }
0x18: {  	s0 =	sld [smem:$0x3F9D];
	_ =	swait.ge [sflag:s4], $0x0  }
0x19: {  	s7 =	sld [smem:$0x3F9E]  }
0x1a: {  	s8 =	sadd.s32 $0xFFFFE003, lr  }
0x1b: {  	s9 =	sadd.s32 $0xFFFFFEF7, lr;
	s5 =	simm.s32 $0xFFFFFFFF;
	p2 =	slt.u32 s8, $0xFFFFF086  }
0x1c: {  	p1 =	slt.u32 s9, $0xF7A;
	s5 =	simm.s32 @!p2 $0x0  }
0x1d: {  	s5 =	simm.s32 @p1 $0x1;
	p0 =	seq.s32 s7, s2  }
0x1e: {  	s7 =	smul.u32 @!p0 $0xF7A, s2;
	p2 =	seq.s32 @!p0 s5, $0x0  }
0x1f: {  	s9 =	smul.u32 $0xF7A, s1;
	s8 =	simm.s32 @!p0 $0x1BF5;
	p2 =	por !p2, p0  }
0x20: {  	[sflag:s8] =	ssyncset.s32 @!p0 $0xFFFFF086;
	s6 =	sadd.s32 @!p0 s3, s7;
	s7 =	simm.s32 @!p0 $0x108  }
0x21: {  	s3 =	sadd.s32 s3, s9;
	s6 =	sadd.s32 @!p0 $0x88, s6;
	s7 =	simm.s32 @p2 $0x1082  }
0x22: {  	[simem:s7], [sflag:s8] =	dma.local @!p0 [hbm:s6], $0xF7A  }
0x23: {  	s9 =	sor.u32 $0xD0000000, s2;
	s6 =	simm.s32 $0x108;
	_ =	swait.ge @!p0 [sflag:s8], $0x0  }
0x24: {  	s3 =	sadd.s32 $0x88, s3;
	s6 =	simm.s32 @!p1 $0x1082;
	[sflag:s4] =	ssyncset.s32 $0xFFFFF086  }
0x25: {  	[simem:s6], [sflag:s4] =	dma.local [hbm:s3], $0xF7A  }
0x26: {  	[smem:$0x3F9E] =	sst s1;
	(tag) =	ssettag s2;
	_ =	strace s9  }
0x27: {  	s1 =	sld [smem:$0x3FAE]  }
0x28: {  	s2 =	sld [smem:$0x3FAF]  }
0x29: {  	s4 =	sld [smem:$0x3FB1]  }
0x2a: {  	p0 =	seq.s32 s5, $0x0;
	s5 =	sld [smem:$0x3FB2]  }
0x2b: {  	s6 =	sld [smem:$0x3FB3]  }
0x2c: {  	s7 =	sld [smem:$0x3FB4]  }
0x2d: {  	s3 =	simm.s32 $0x108;
	s8 =	sld [smem:$0x3FB5]  }
0x2e: {  	s3 =	simm.s32 @!p0 $0x1082;
	s9 =	sld [smem:$0x3FB6]  }
0x2f: {  	lr =	sadd.s32 s0, s3;
	s0 =	sld [smem:$0x3FAD]  }
0x30: {  	s3 =	sld [smem:$0x3FB0]  }
0x31: {  	[smem:$0x3FB9] =	sst s10  }
0x32: {  	s10 =	sld [smem:$0x3FB7];
	_ =	sdelay $0x3  }
0x33: {  	p0 =	seq.s32 s10, $0x1;
	s10 =	sld [smem:$0x3FB9];
	_ =	sdelay $0x3  }
0x34: {  	[smem:$0x3FB9] =	sst s10  }
0x35: {  	s10 =	sld [smem:$0x3FB8];
	_ =	sdelay $0x3  }
0x36: {  	p1 =	seq.s32 s10, $0x1;
	s10 =	sld [smem:$0x3FB9];
	_ =	sdelay $0x3  }
0x37: {  	[smem:$0x3FB9] =	sst s10  }
0x38: {  	s10 =	sld [smem:$0x3FBA]  }
0x39: {  	_ = 	snop;
	(pc) =	sbr.ind lr, $3  }
0x3a: {  	_ = 	snop  }
0x3b: {  	_ = 	snop  }
0x3c: {  	p2 =	seq.s32 s10, $0x1;
	s10 =	sld [smem:$0x3FB9]  }
0x3d: {  	_ =	shalt  }
0x3e: {  	_ =	shalt  }
0x3f: {  	_ =	shalt  }
0x40: {  	_ =	shalt  }
0x41: {  	_ =	shalt  }
0x42: {  	_ =	shalt  }
0x43: {  	_ =	shalt  }
0x44: {  	_ =	shalt  }
0x45: {  	_ =	shalt  }
0x46: {  	_ =	shalt  }
0x47: {  	_ =	shalt  }
0x48: {  	_ =	shalt  }
0x49: {  	_ =	shalt  }
0x4a: {  	_ =	shalt  }
0x4b: {  	_ =	shalt  }
0x4c: {  	_ =	shalt  }
0x4d: {  	_ =	shalt  }
0x4e: {  	_ =	shalt  }
0x4f: {  	_ =	shalt  }
0x50: {  	_ =	shalt  }
0x51: {  	_ =	shalt  }
0x52: {  	_ =	shalt  }
0x53: {  	_ =	shalt  }
0x54: {  	_ =	shalt  }
0x55: {  	_ =	shalt  }
0x56: {  	_ =	shalt  }
0x57: {  	_ =	shalt  }
0x58: {  	_ =	shalt  }
0x59: {  	_ =	shalt  }
0x5a: {  	_ =	shalt  }
0x5b: {  	_ =	shalt  }
0x5c: {  	_ =	shalt  }
0x5d: {  	_ =	shalt  }
0x5e: {  	_ =	shalt  }
0x5f: {  	_ =	shalt  }
0x60: {  	_ =	shalt  }
0x61: {  	_ =	shalt  }
0x62: {  	_ =	shalt  }
0x63: {  	_ =	shalt  }
0x64: {  	_ =	shalt  }
0x65: {  	_ =	shalt  }
0x66: {  	_ =	shalt  }
0x67: {  	_ =	shalt  }
0x68: {  	_ =	shalt  }
0x69: {  	_ =	shalt  }
0x6a: {  	_ =	shalt  }
0x6b: {  	_ =	shalt  }
0x6c: {  	_ =	shalt  }
0x6d: {  	_ =	shalt  }
0x6e: {  	_ =	shalt  }
0x6f: {  	_ =	shalt  }
0x70: {  	_ =	shalt  }
0x71: {  	_ =	shalt  }
0x72: {  	_ =	shalt  }
0x73: {  	_ =	shalt  }
0x74: {  	_ =	shalt  }
0x75: {  	_ =	shalt  }
0x76: {  	_ =	shalt  }
0x77: {  	_ =	shalt  }
0x78: {  	_ =	shalt  }
0x79: {  	_ =	shalt  }
0x7a: {  	_ =	shalt  }
0x7b: {  	_ =	shalt  }
0x7c: {  	_ =	shalt  }
0x7d: {  	_ =	shalt  }
0x7e: {  	_ =	shalt  }
0x7f: {  	_ =	shalt  }
0x80: {  	_ =	shalt  }
0x81: {  	_ =	shalt  }
0x82: {  	_ =	shalt  }
0x83: {  	_ =	shalt  }
0x84: {  	_ =	shalt  }
0x85: {  	_ =	shalt  }
0x86: {  	_ =	shalt  }
0x87: {  	_ =	shalt  }
.Lfunc_end0:
.L_simem_size_0:
called_computation.1_lowered:
.L_overlay_start_0:
0x88: {  	s2 =	sld [smem:$0x3FD9]  }
0x89: {  	s3 =	sld [smem:$0x3FFE];
	_ =	sdelay $0x1  }
0x8a: {  	s1 =	srdreg.scid  }
0x8b: {  	s0 =	sand.u32 $0x1, s1  }
0x8c: {  	s14 =	sshll.u32 s0, $0xA;
	s2 =	sadd.s32 s3, s2  }
0x8d: {  	s2 =	sadd.s32 s2, s14  }
0x8e: {  	[smem:$0x3FC5] =	sst s2  }
0x8f: {  	_ = 	snop  }
0x90: {  	s2 =	sld [smem:$0x3FD0];
	_ =	sdelay $0x2  }
0x91: {  	s15 =	simm.s32 $0xA;
	s4 =	simm.s32 $0x10  }
0x92: {  	[smem:s4], [sflag:s15] =	dma.local [hbm:s2], $0x1  }
0x93: {  	_ =	swait.eq [sflag:s15], $0x1  }
0x94: {  	[sflag:s15] =	ssyncset.done $0x0  }
0x95: {  	[sflag:s15] =	ssyncadd.s32 $0xFFFFFFFF  }
0x96: {  	s16 =	sld [smem:$0x10];
	(tm) =	ssettm $0x1  }
0x97: {  	s17 =	sld [smem:$0x3FFB];
	_ =	sdelay $0x3  }
0x98: {  	_ =	strace s17  }
0x99: {  	s3 =	sld [smem:$0x3FFC];
	_ =	sdelay $0x3  }
0x9a: {  	_ =	strace s3  }
0x9b: {  	s3 =	sld [smem:$0x3FFD];
	_ =	sdelay $0x3  }
0x9c: {  	_ =	strace s3  }
0x9d: {  	_ =	strace $0x8FFFFFFF  }
0x9e: {  	s18 =	sld [smem:$0x3FDB];
	_ =	sdelay $0x1  }
0x9f: {  	s19 =	simm.s32 $_scs_section_size  }
0xa0: {  	s5 =	simm.s32 $_size__tile_overlayer_lowered;
	s6 =	simm.s32 $_tile_overlayer_lowered  }
0xa1: {  	s22 =	simm.s32 $0x1BFF;
	s21 =	sshll.u32 s6, $0x1;
	s3 =	sadd.s32 s19, s18  }
0xa2: {  	s7 =	simm.s32 $0x0;
	s20 =	sshll.u32 s5, $0x1;
	s5 =	sadd.s32 s21, s3  }
0xa3: {  	[timem:s7], [sflag:s22] =	dma.local [hbm:s5], s20  }
0xa4: {  	_ =	swait.ge [sflag:s22], s20  }
0xa5: {  	s4 =	ssub.s32 $0x0, s20;
	[sflag:s22] =	ssyncset.done $0x0  }
0xa6: {  	[sflag:s22] =	ssyncadd.s32 s4;
	_ =	sdelay $0x1  }
0xa7: {  	s23 =	simm.s32 $0x1B8B  }
0xa8: {  	_ =	swait.ge [sflag:s23], $0x1  }
0xa9: {  	[sflag:s23] =	ssyncset.done $0x0  }
0xaa: {  	s25 =	simm.s32 $0x1B8E;
	s24 =	sld [smem:$0x3FFE];
	[sflag:s23] =	ssyncadd.s32 $0xFFFFFFFF  }
0xab: {  	s26 =	simm.s32 $execute0_lowered;
	[smem:$0x3FD2] =	sst s25  }
0xac: {  	s5 =	sshll.u32 s26, $0x1;
	_ =	strace $0x80000046;
	[dreg:$0x1] =	wrdreg $0xFFFFFFFF  }
0xad: {  	s28 =	simm.s32 $_size_execute0_lowered;
	s3 =	sadd.s32 s3, s5;
	[dreg:$0x0] =	wrdreg $0x0  }
0xae: {  	s5 =	sshll.u32 s28, $0x1;
	[dreg:$0x2] =	wrdreg s3  }
0xaf: {  	[dreg:$0x3] =	wrdreg s5  }
0xb0: {  	[dreg:$0x4] =	wrdreg $0xC0  }
0xb1: {  	_ =	task [dreg:s7], $0x5FFFF  }
0xb2: {  	[dreg:$0x1] =	wrdreg $0xFFFFFFFF  }
0xb3: {  	[dreg:$0x0] =	wrdreg $0x60  }
0xb4: {  	[dreg:$0x2] =	wrdreg s16  }
0xb5: {  	[dreg:$0x3] =	wrdreg s24  }
0xb6: {  	[dreg:$0x4] =	wrdreg $0x9  }
0xb7: {  	_ =	task.clear_ibuf [dreg:s7], $0x5FFFF;
	_ =	strace $0x90000046  }
0xb8: {  	s29 =	simm.s32 $0x9;
	_ =	strace $0x80000048  }
0xb9: {  	_ =	swait.ge [sflag:s29], $0x1  }
0xba: {  	[sflag:s29] =	ssyncadd.s32 $0xFFFFFFFF  }
0xbb: {  	_ =	strace $0x90000048  }
0xbc: {  	_ =	sfence  }
0xbd: {  	s30 =	sld [smem:$0x0];
	_ =	sdelay $0x2  }
0xbe: {  	s31 =	sshll.u32 s1, $0xD;
	s1 =	sshrl.u32 s1, $0x2  }
0xbf: {  	s3 =	sand.u32 $0x4000, s31;
	s1 =	sadd.s32 s1, s30  }
0xc0: {  	s0 =	sor.u32 s3, s0;
	s1 =	sshll.u32 s1, $0x11  }
0xc1: {  	s0 =	sor.u32 s1, s0  }
0xc2: {  	s0 =	sadd.s32 $0x8F2B, s0  }
0xc3: {  	[sflag:s0] =	ssyncadd.remote.s32 $0x1  }
0xc4: {  	_ =	sfence.sel $0xFFFF  }
0xc5: {  	[dreg:$0x0] =	wrdreg $0xFFFFFFFF;
	(pc) =	sbr.abs _section_cstart, $3  }
0xc6: {  	[dreg:$0x1] =	wrdreg $0xFFFFFFFF  }
0xc7: {  	_ =	task.clear_ibuf [dreg:s7], $0x2FFFF;
	_ =	strace $0x9FFFFFFF  }
0xc8: {  	(tm) =	ssettm $0x7FFFFFFF  }
0xc9: {  	_ =	shalt  }
tec
execute0_lowered:
.L_overlay_start_1:
0x0: {  	(tag) =	ssettag $0x1  }
0x1: {  	v0 =	vimm.s32 $0x2380;
	vm15 =	vcmask $0x300;
	s1 =	rddreg [dreg:$0x0]  }
0x2: {  	vm14 =	vcmask $0x704;
	s5 =	rddreg [dreg:$0x1];
	s3 =	simm.s32 $0x0;
	v0 =	vsel vm15, $0x0, v0  }
0x3: {  	s0 =	srdreg.scid;
	vm13 =	vcmask $0xB08;
	[smem:$0x7FF] =	sst s3;
	s7 =	sadd.s32 $0x3E00, s5;
	v0 =	vsel vm14, $0x80, v0  }
0x4: {  	vm12 =	vcmask $0xF0C;
	s8 =	simm.s32 $0x1900;
	_ =	strace $0x80000047;
	[dreg:$0x11] =	wrdreg s7;
	v0 =	vsel vm13, $0x100, v0  }
0x5: {  	s6 =	stileid.u32;
	vm11 =	vcmask $0x1310;
	vm10 =	vcmask $0x1714;
	s13 =	simm.s32 $0x2100;
	[dreg:$0x3] =	wrdreg s8;
	v0 =	vsel vm12, $0x180, v0  }
0x6: {  	vm5 =	vcmask $0x1B18;
	vm4 =	vcmask $0x1F1C;
	s15 =	simm.s32 $0x2900;
	s16 =	simm.s32 $0x3100;
	[dreg:$0x4] =	wrdreg s13;
	v0 =	vsel vm11, $0x200, v0  }
0x7: {  	vm3 =	vcmask $0x2320;
	vm1 =	vcmask $0x2724;
	s17 =	simm.s32 $0x3900;
	s18 =	simm.s32 $0x4100;
	[dreg:$0x5] =	wrdreg s15;
	v0 =	vsel vm10, $0x280, v0  }
0x8: {  	vm2 =	vcmask $0x2B28;
	v3 =	vlaneseq.u32;
	s19 =	simm.s32 $0x4900;
	s20 =	simm.s32 $0x5100;
	[dreg:$0x6] =	wrdreg s16;
	v0 =	vsel vm5, $0x300, v0  }
0x9: {  	vm6 =	vcmask $0x2F2C;
	vm7 =	vcmask $0x3330;
	s21 =	simm.s32 $0x5900;
	s22 =	simm.s32 $0x6100;
	[dreg:$0x7] =	wrdreg s17;
	v0 =	vsel vm4, $0x380, v0  }
0xa: {  	vm8 =	vcmask $0x3734;
	vm9 =	vcmask $0x3B38;
	s23 =	simm.s32 $0x6900;
	s24 =	simm.s32 $0x7100;
	[dreg:$0x8] =	wrdreg s18;
	v1 =	vsel vm3, $0x2000, v0  }
0xb: {  	vm0 =	vmmov $0xffff;
	v6 =	vimm.s32 $0xA380;
	s25 =	simm.s32 $0x7900;
	s26 =	simm.s32 $0x8100;
	[dreg:$0x9] =	wrdreg s19;
	v1 =	vsel vm1, $0x2080, v1  }
0xc: {  	v7 =	vimm.s32 $0xE380;
	s28 =	simm.s32 $0xD900;
	s29 =	simm.s32 $0xE100;
	v4 =	vshrl.u32 v3, $0x3;
	[dreg:$0xa] =	wrdreg s20;
	v2 =	vsel vm2, $0x2100, v1  }
0xd: {  	s30 =	simm.s32 $0xE900;
	s31 =	simm.s32 $0xF100;
	v6 =	vsel vm15, $0x8000, v6;
	v7 =	vsel vm15, $0xC000, v7;
	[dreg:$0xb] =	wrdreg s21;
	v2 =	vsel vm6, $0x2180, v2  }
0xe: {  	s0 =	sand.u32 $0x1, s0;
	s2 =	sshll.u32 s6, $0x1;
	v6 =	vsel vm14, $0x8080, v6;
	v7 =	vsel vm14, $0xC080, v7;
	[dreg:$0xc] =	wrdreg s22;
	v5 =	vsel vm7, $0x2200, v2  }
0xf: {  	s6 =	smul.u32 $0x64000, s6;
	s4 =	sor.u32 s0, s2;
	[dreg:$0xd] =	wrdreg s23;
	v2 =	vmul.u32 $0x8, v4;
	v4 =	vsel vm8, $0x2280, v5;
	v5 =	vimm.s32 $0x6380  }
0x10: {  	s11 =	ssub.s32 $0x2, s0;
	s8 =	sadd.s32 $0x200, s1;
	[dreg:$0xe] =	wrdreg s24;
	v6 =	vsel vm13, $0x8100, v6;
	v7 =	vsel vm13, $0xC100, v7;
	v5 =	vsel vm15, $0x4000, v5  }
0x11: {  	s0 =	smul.u32 $0x32000, s0;
	[dreg:$0xf] =	wrdreg s25;
	s15 =	simm.s32 $0xD00;
	v6 =	vsel vm12, $0x8180, v6;
	v7 =	vsel vm12, $0xC180, v7;
	v5 =	vsel vm14, $0x4080, v5  }
0x12: {  	s16 =	simm.s32 $0x1100;
	[dreg:$0x10] =	wrdreg s26;
	s17 =	simm.s32 $0x8900;
	v6 =	vsel vm11, $0x8200, v6;
	v7 =	vsel vm11, $0xC200, v7;
	v5 =	vsel vm13, $0x4100, v5  }
0x13: {  	s18 =	simm.s32 $0x9100;
	s19 =	simm.s32 $0x9900;
	s20 =	simm.s32 $0xA100;
	v6 =	vsel vm10, $0x8280, v6;
	v7 =	vsel vm10, $0xC280, v7;
	v5 =	vsel vm12, $0x4180, v5  }
0x14: {  	s21 =	simm.s32 $0xA900;
	s22 =	simm.s32 $0xB100;
	s23 =	simm.s32 $0xB900;
	v6 =	vsel vm5, $0x8300, v6;
	v7 =	vsel vm5, $0xC300, v7;
	v5 =	vsel vm11, $0x4200, v5  }
0x15: {  	s24 =	simm.s32 $0xC100;
	s25 =	simm.s32 $0xC900;
	s26 =	simm.s32 $0xD100;
	v6 =	vsel vm4, $0x8380, v6;
	v7 =	vsel vm4, $0xC380, v7;
	v5 =	vsel vm10, $0x4280, v5  }
0x16: {  	s2 =	smul.u32 $0x640, s4;
	s10 =	sadd.s32 s6, s5;
	s4 =	sshll.u32 s4, $0x4;
	v0 =	vimm.f32 $0.0e+00;
	v6 =	vsel vm3, $0xA000, v6;
	v5 =	vsel vm5, $0x4300, v5  }
0x17: {  	s12 =	sshrl.u32 s11, $0x1;
	s6 =	simm.s32 $0x0;
	s4 =	sadd.s32 s4, s5;
	v7 =	vsel vm3, $0xE000, v7;
	v6 =	vsel vm1, $0xA080, v6;
	v5 =	vsel vm4, $0x4380, v5  }
0x18: {  	s0 =	sadd.s32 s0, s10;
	s10 =	simm.s32 $0x3;
	s4 =	sadd.s32 $0x4000, s4;
	v7 =	vsel vm1, $0xE080, v7;
	v1 =	vand.u32 $0x7, v3;
	v5 =	vsel vm3, $0x6000, v5  }
0x19: {  	s2 =	sshrl.u32 s2, $0x3;
	s0 =	sadd.s32 $0x4200, s0;
	[dreg:$0x14] =	wrdreg s4;
	v3 =	vor.u32 $0x8, v3;
	v6 =	vsel vm2, $0xA100, v6;
	v5 =	vsel vm1, $0x6080, v5  }
0x1a: {  	s9 =	sadd.s32 s2, s5;
	s5 =	ssub.s32 s11, s12;
	[dreg:$0x16] =	wrdreg s0;
	v7 =	vsel vm2, $0xE100, v7;
	v6 =	vsel vm6, $0xA180, v6;
	v5 =	vsel vm2, $0x6100, v5  }
0x1b: {  	s2 =	simm.s32 $0xF900;
	s0 =	simm.s32 $0x10100;
	s14 =	sadd.s32 $0xA00, s9;
	v7 =	vsel vm6, $0xE180, v7;
	v6 =	vsel vm7, $0xA200, v6;
	v5 =	vsel vm6, $0x6180, v5  }
0x1c: {  	s4 =	simm.s32 $0x1;
	s7 =	sadd.s32 $0x2400, s9;
	[dreg:$0x12] =	wrdreg s14;
	v7 =	vsel vm7, $0xE200, v7;
	v6 =	vsel vm8, $0xA280, v6;
	v5 =	vsel vm7, $0x6200, v5  }
0x1d: {  	s9 =	sadd.s32 $0x300, s1;
	s5 =	smax.u32 s5, $0x1;
	[dreg:$0x13] =	wrdreg s7;
	v7 =	vsel vm8, $0xE280, v7;
	v4 =	vsel vm9, $0x2300, v4;
	v5 =	vsel vm8, $0x6280, v5  }
0x1e: {  	s7 =	sadd.s32 $0x100, s1;
	[dreg:$0x15] =	wrdreg s5;
	s14 =	simm.s32 $0x10900;
	v6 =	vsel vm9, $0xA300, v6;
	v7 =	vsel vm9, $0xE300, v7;
	v5 =	vsel vm9, $0x6300, v5  }
.LBB2_1:
0x1f: {  	s5 =	rddreg [dreg:$0x12]  }
0x20: {  	[tilespmem:s3], [sflag:$0x3] =	stream.linear.gather [hbm4b:s5+s3], $0x640, $0x38;
	[tilespmem:$0x11180] =	vst v63  }
0x21: {  	_ =	swait.ge [sflag:s10], $0x640  }
0x22: {  	[sflag:s10] =	ssyncset.done $0x0  }
0x23: {  	s11 =	simm.s32 $0x680;
	s12 =	rddreg [dreg:$0x13];
	[sflag:s10] =	ssyncadd.s32 $0xFFFFF9C0  }
0x24: {  	[tilespmem:s11], [sflag:$0x3] =	stream.linear.gather [hbm4b:s12+s3], $0x640, $0x38;
	[tilespmem:$0x11180] =	vst v63  }
0x25: {  	_ =	swait.ge [sflag:s10], $0x640  }
0x26: {  	[sflag:s10] =	ssyncset.done $0x0  }
0x27: {  	s13 =	rddreg [dreg:$0x11];
	[sflag:s10] =	ssyncadd.s32 $0xFFFFF9C0  }
0x28: {  	[tilespmem:s15], [sflag:$0x3] =	stream.linear.gather [hbm4b:s13+s3], $0x400, $0x38;
	[tilespmem:$0x11180] =	vst v63  }
0x29: {  	_ =	swait.ge [sflag:s10], $0x400  }
0x2a: {  	[sflag:s10] =	ssyncset.done $0x0  }
0x2b: {  	[sflag:s10] =	ssyncadd.s32 $0xFFFFFC00  }
0x2c: {  	s11 =	simm.s32 $0x0;
	s12 =	rddreg [dreg:$0x16];
	[tilespmem:$0x11100] =	vst v0  }
.LBB2_2:
0x2d: {  	p0 =	seq.s32 s11, $0x0  }
0x2e: {  	s10 =	simm.s32 @!p0 $0x2  }
0x2f: {  	_ =	swait.ge @!p0 [sflag:s10], $0x10000  }
0x30: {  	[sflag:s10] =	ssyncset.done @!p0 $0x0  }
0x31: {  	[sflag:s10] =	ssyncadd.s32 @!p0 $0xFFFF0000;
	s10 =	sshra.s32 s11, $0x2  }
0x32: {  	v8 =	vld [tilespmem:s10+$0x0];
	_ =	sdelay $0x4  }
0x33: {  	v9 =	vshll.u32 v8, $0x3  }
0x34: {  	v8 =	vand.u32 $0x7, v8;
	v9 =	vand.u32 $0xFFFFFFC0, v9  }
0x35: {  	v8 =	vor.u32 v8, v9  }
0x36: {  	v9 =	vperm.xlane v8, v1;
	_ =	sdelay $0x1  }
0x37: {  	v9 =	vadd.s32 v2, v9;
	_ =	sdelay $0x4  }
0x38: {  	[tilespmem:s16], [sflag:$0x1] =	stream.indirect_vreg.gather [hbm4b:s1+s3], $0x80, v9, vm0, $0xb8;
	[tilespmem:$0x11180] =	vst v63  }
0x39: {  	s5 =	rddreg [dreg:$0x3];
	v8 =	vperm.xlane v8, v3  }
0x3a: {  	[tilespmem:s5], [sflag:$0x1] =	stream.indirect_vreg.gather [hbm4b:s7+s3], $0x80, v9, vm0, $0xb8;
	[tilespmem:$0x11180] =	vst v63  }
0x3b: {  	s13 =	rddreg [dreg:$0x4];
	v8 =	vadd.s32 v2, v8  }
0x3c: {  	[tilespmem:s13], [sflag:$0x1] =	stream.indirect_vreg.gather [hbm4b:s8+s3], $0x80, v9, vm0, $0xb8;
	[tilespmem:$0x11180] =	vst v63  }
0x3d: {  	s5 =	rddreg [dreg:$0x5]  }
0x3e: {  	[tilespmem:s5], [sflag:$0x1] =	stream.indirect_vreg.gather [hbm4b:s9+s3], $0x80, v9, vm0, $0xb8;
	[tilespmem:$0x11180] =	vst v63  }
0x3f: {  	s13 =	rddreg [dreg:$0x6]  }
0x40: {  	[tilespmem:s13], [sflag:$0x1] =	stream.indirect_vreg.gather [hbm4b:s1+s3], $0x80, v8, vm0, $0xb8;
	[tilespmem:$0x11180] =	vst v63  }
0x41: {  	s5 =	rddreg [dreg:$0x7]  }
0x42: {  	[tilespmem:s5], [sflag:$0x1] =	stream.indirect_vreg.gather [hbm4b:s7+s3], $0x80, v8, vm0, $0xb8;
	[tilespmem:$0x11180] =	vst v63  }
0x43: {  	s13 =	rddreg [dreg:$0x8]  }
0x44: {  	[tilespmem:s13], [sflag:$0x1] =	stream.indirect_vreg.gather [hbm4b:s8+s3], $0x80, v8, vm0, $0xb8;
	[tilespmem:$0x11180] =	vst v63  }
0x45: {  	s5 =	rddreg [dreg:$0x9]  }
0x46: {  	[tilespmem:s5], [sflag:$0x1] =	stream.indirect_vreg.gather [hbm4b:s9+s3], $0x80, v8, vm0, $0xb8;
	[tilespmem:$0x11180] =	vst v63  }
0x47: {  	v8 =	vld [tilespmem:s10+$0x10];
	_ =	sdelay $0x4  }
0x48: {  	v47 =	vshll.u32 v8, $0x3  }
0x49: {  	v8 =	vand.u32 $0x7, v8;
	v9 =	vand.u32 $0xFFFFFFC0, v47  }
0x4a: {  	v8 =	vor.u32 v8, v9  }
0x4b: {  	v9 =	vperm.xlane v8, v1;
	_ =	sdelay $0x1  }
0x4c: {  	v9 =	vadd.s32 v2, v9;
	_ =	sdelay $0x3  }
0x4d: {  	s5 =	rddreg [dreg:$0xa]  }
0x4e: {  	[tilespmem:s5], [sflag:$0x1] =	stream.indirect_vreg.gather [hbm4b:s1+s3], $0x80, v9, vm0, $0xb8;
	[tilespmem:$0x11180] =	vst v63  }
0x4f: {  	s13 =	rddreg [dreg:$0xb];
	v8 =	vperm.xlane v8, v3  }
0x50: {  	[tilespmem:s13], [sflag:$0x1] =	stream.indirect_vreg.gather [hbm4b:s7+s3], $0x80, v9, vm0, $0xb8;
	[tilespmem:$0x11180] =	vst v63  }
0x51: {  	v8 =	vadd.s32 v2, v8;
	s5 =	rddreg [dreg:$0xc]  }
0x52: {  	[tilespmem:s5], [sflag:$0x1] =	stream.indirect_vreg.gather [hbm4b:s8+s3], $0x80, v9, vm0, $0xb8;
	[tilespmem:$0x11180] =	vst v63  }
0x53: {  	s13 =	rddreg [dreg:$0xd]  }
0x54: {  	[tilespmem:s13], [sflag:$0x1] =	stream.indirect_vreg.gather [hbm4b:s9+s3], $0x80, v9, vm0, $0xb8;
	[tilespmem:$0x11180] =	vst v63  }
0x55: {  	s5 =	rddreg [dreg:$0xe]  }
0x56: {  	[tilespmem:s5], [sflag:$0x1] =	stream.indirect_vreg.gather [hbm4b:s1+s3], $0x80, v8, vm0, $0xb8;
	[tilespmem:$0x11180] =	vst v63  }
0x57: {  	s13 =	rddreg [dreg:$0xf]  }
0x58: {  	[tilespmem:s13], [sflag:$0x1] =	stream.indirect_vreg.gather [hbm4b:s7+s3], $0x80, v8, vm0, $0xb8;
	[tilespmem:$0x11180] =	vst v63  }
0x59: {  	s5 =	rddreg [dreg:$0x10]  }
0x5a: {  	[tilespmem:s5], [sflag:$0x1] =	stream.indirect_vreg.gather [hbm4b:s8+s3], $0x80, v8, vm0, $0xb8;
	[tilespmem:$0x11180] =	vst v63  }
0x5b: {  	_ = 	snop  }
0x5c: {  	[tilespmem:s17], [sflag:$0x1] =	stream.indirect_vreg.gather [hbm4b:s9+s3], $0x80, v8, vm0, $0xb8;
	[tilespmem:$0x11180] =	vst v63  }
0x5d: {  	v8 =	vld [tilespmem:s10+$0x20];
	_ =	sdelay $0x4  }
0x5e: {  	v48 =	vshll.u32 v8, $0x3  }
0x5f: {  	v8 =	vand.u32 $0x7, v8;
	v9 =	vand.u32 $0xFFFFFFC0, v48  }
0x60: {  	v8 =	vor.u32 v8, v9  }
0x61: {  	v9 =	vperm.xlane v8, v1;
	_ =	sdelay $0x1  }
0x62: {  	v9 =	vadd.s32 v2, v9;
	_ =	sdelay $0x4  }
0x63: {  	[tilespmem:s18], [sflag:$0x1] =	stream.indirect_vreg.gather [hbm4b:s1+s3], $0x80, v9, vm0, $0xb8;
	[tilespmem:$0x11180] =	vst v63  }
0x64: {  	v8 =	vperm.xlane v8, v3  }
0x65: {  	[tilespmem:s19], [sflag:$0x1] =	stream.indirect_vreg.gather [hbm4b:s7+s3], $0x80, v9, vm0, $0xb8;
	[tilespmem:$0x11180] =	vst v63  }
0x66: {  	v8 =	vadd.s32 v2, v8  }
0x67: {  	[tilespmem:s20], [sflag:$0x1] =	stream.indirect_vreg.gather [hbm4b:s8+s3], $0x80, v9, vm0, $0xb8;
	[tilespmem:$0x11180] =	vst v63  }
0x68: {  	_ = 	snop  }
0x69: {  	[tilespmem:s21], [sflag:$0x1] =	stream.indirect_vreg.gather [hbm4b:s9+s3], $0x80, v9, vm0, $0xb8;
	[tilespmem:$0x11180] =	vst v63  }
0x6a: {  	_ = 	snop  }
0x6b: {  	[tilespmem:s22], [sflag:$0x1] =	stream.indirect_vreg.gather [hbm4b:s1+s3], $0x80, v8, vm0, $0xb8;
	[tilespmem:$0x11180] =	vst v63  }
0x6c: {  	_ = 	snop  }
0x6d: {  	[tilespmem:s23], [sflag:$0x1] =	stream.indirect_vreg.gather [hbm4b:s7+s3], $0x80, v8, vm0, $0xb8;
	[tilespmem:$0x11180] =	vst v63  }
0x6e: {  	_ = 	snop  }
0x6f: {  	[tilespmem:s24], [sflag:$0x1] =	stream.indirect_vreg.gather [hbm4b:s8+s3], $0x80, v8, vm0, $0xb8;
	[tilespmem:$0x11180] =	vst v63  }
0x70: {  	_ = 	snop  }
0x71: {  	[tilespmem:s25], [sflag:$0x1] =	stream.indirect_vreg.gather [hbm4b:s9+s3], $0x80, v8, vm0, $0xb8;
	[tilespmem:$0x11180] =	vst v63  }
0x72: {  	v8 =	vld [tilespmem:s10+$0x30];
	_ =	sdelay $0x4  }
0x73: {  	v49 =	vshll.u32 v8, $0x3  }
0x74: {  	v8 =	vand.u32 $0x7, v8;
	v9 =	vand.u32 $0xFFFFFFC0, v49  }
0x75: {  	v8 =	vor.u32 v8, v9  }
0x76: {  	v9 =	vperm.xlane v8, v1;
	_ =	sdelay $0x1  }
0x77: {  	v9 =	vadd.s32 v2, v9;
	_ =	sdelay $0x4  }
0x78: {  	[tilespmem:s26], [sflag:$0x1] =	stream.indirect_vreg.gather [hbm4b:s1+s3], $0x80, v9, vm0, $0xb8;
	[tilespmem:$0x11180] =	vst v63  }
0x79: {  	v8 =	vperm.xlane v8, v3  }
0x7a: {  	[tilespmem:s28], [sflag:$0x1] =	stream.indirect_vreg.gather [hbm4b:s7+s3], $0x80, v9, vm0, $0xb8;
	[tilespmem:$0x11180] =	vst v63  }
0x7b: {  	v8 =	vadd.s32 v2, v8  }
0x7c: {  	[tilespmem:s29], [sflag:$0x1] =	stream.indirect_vreg.gather [hbm4b:s8+s3], $0x80, v9, vm0, $0xb8;
	[tilespmem:$0x11180] =	vst v63  }
0x7d: {  	_ = 	snop  }
0x7e: {  	[tilespmem:s30], [sflag:$0x1] =	stream.indirect_vreg.gather [hbm4b:s9+s3], $0x80, v9, vm0, $0xb8;
	[tilespmem:$0x11180] =	vst v63  }
0x7f: {  	_ = 	snop  }
0x80: {  	[tilespmem:s31], [sflag:$0x1] =	stream.indirect_vreg.gather [hbm4b:s1+s3], $0x80, v8, vm0, $0xb8;
	[tilespmem:$0x11180] =	vst v63  }
0x81: {  	_ = 	snop  }
0x82: {  	[tilespmem:s2], [sflag:$0x1] =	stream.indirect_vreg.gather [hbm4b:s7+s3], $0x80, v8, vm0, $0xb8;
	[tilespmem:$0x11180] =	vst v63  }
0x83: {  	_ = 	snop  }
0x84: {  	[tilespmem:s0], [sflag:$0x1] =	stream.indirect_vreg.gather [hbm4b:s8+s3], $0x80, v8, vm0, $0xb8;
	[tilespmem:$0x11180] =	vst v63  }
0x85: {  	_ = 	snop  }
0x86: {  	[tilespmem:s14], [sflag:$0x1] =	stream.indirect_vreg.gather [hbm4b:s9+s3], $0x80, v8, vm0, $0xb8;
	[tilespmem:$0x11180] =	vst v63  }
0x87: {  	_ =	swait.ge [sflag:s4], $0x10000  }
0x88: {  	[sflag:s4] =	ssyncset.done $0x0  }
0x89: {  	[sflag:s4] =	ssyncadd.s32 $0xFFFF0000  }
0x8a: {  	[hbm4b:s12+s3] =	stream.linear.scatter [tilespmem:s16], [sflag:$0x2], $0x10000, $0x38;
	[tilespmem:$0x11180] =	vst v63  }
0x8b: {  	v8 =	vld [tilespmem:s10+$0x680];
	_ =	sdelay $0x3  }
0x8c: {  	v10 =	vld [tilespmem:s10+$0x0]  }
0x8d: {  	v50 =	vshll.u32 v8, $0x3  }
0x8e: {  	v8 =	vand.u32 $0x7F, v8;
	v9 =	vand.u32 $0xFFFFFC00, v50  }
0x8f: {  	v8 =	vor.u32 v8, v9  }
0x90: {  	v8 =	vadd.s32 v4, v8;
	_ =	sdelay $0x3  }
0x91: {  	v51 =	vld.idx.msk [tilespmem:v10+s15+$0x0], $0xffff  }
0x92: {  	v8 =	vld.idx.msk [tilespmem:v8+s16+$0x0], $0xffff;
	_ =	sdelay $0x1  }
0x93: {  	v52 =	vld [tilespmem:$0x11100];
	_ =	sdelay $0x2  }
0x94: {  	v8 =	vsub.f32 v51, v8;
	_ =	sdelay $0x1  }
0x95: {  	v8 =	vadd.f32 v8, v52;
	_ =	sdelay $0x1  }
0x96: {  	[tilespmem:$0x11100] =	vst v8  }
0x97: {  	v53 =	vld [tilespmem:s10+$0x690];
	_ =	sdelay $0x3  }
0x98: {  	v11 =	vld [tilespmem:s10+$0x10]  }
0x99: {  	v54 =	vshll.u32 v53, $0x3  }
0x9a: {  	v9 =	vand.u32 $0x7F, v53;
	v10 =	vand.u32 $0xFFFFFC00, v54  }
0x9b: {  	v9 =	vor.u32 v9, v10  }
0x9c: {  	v9 =	vadd.s32 v5, v9;
	_ =	sdelay $0x3  }
0x9d: {  	v55 =	vld.idx.msk [tilespmem:v11+s15+$0x0], $0xffff  }
0x9e: {  	v9 =	vld.idx.msk [tilespmem:v9+s16+$0x0], $0xffff;
	_ =	sdelay $0x4  }
0x9f: {  	v9 =	vsub.f32 v55, v9;
	_ =	sdelay $0x1  }
0xa0: {  	v8 =	vadd.f32 v9, v8;
	_ =	sdelay $0x1  }
0xa1: {  	[tilespmem:$0x11100] =	vst v8  }
0xa2: {  	v56 =	vld [tilespmem:s10+$0x6A0];
	_ =	sdelay $0x3  }
0xa3: {  	v58 =	vld [tilespmem:s10+$0x20]  }
0xa4: {  	v57 =	vshll.u32 v56, $0x3  }
0xa5: {  	v9 =	vand.u32 $0x7F, v56;
	v10 =	vand.u32 $0xFFFFFC00, v57  }
0xa6: {  	v9 =	vor.u32 v9, v10  }
0xa7: {  	v9 =	vadd.s32 v6, v9;
	_ =	sdelay $0x3  }
0xa8: {  	v59 =	vld.idx.msk [tilespmem:v58+s15+$0x0], $0xffff  }
0xa9: {  	v9 =	vld.idx.msk [tilespmem:v9+s16+$0x0], $0xffff;
	_ =	sdelay $0x4  }
0xaa: {  	v9 =	vsub.f32 v59, v9;
	_ =	sdelay $0x1  }
0xab: {  	v8 =	vadd.f32 v9, v8;
	_ =	sdelay $0x1  }
0xac: {  	[tilespmem:$0x11100] =	vst v8  }
0xad: {  	v60 =	vld [tilespmem:s10+$0x6B0];
	_ =	sdelay $0x3  }
0xae: {  	v62 =	vld [tilespmem:s10+$0x30]  }
0xaf: {  	v61 =	vshll.u32 v60, $0x3  }
0xb0: {  	v9 =	vand.u32 $0x7F, v60;
	v10 =	vand.u32 $0xFFFFFC00, v61  }
0xb1: {  	v9 =	vor.u32 v9, v10  }
0xb2: {  	v9 =	vadd.s32 v7, v9;
	_ =	sdelay $0x3  }
0xb3: {  	v63 =	vld.idx.msk [tilespmem:v62+s15+$0x0], $0xffff  }
0xb4: {  	v9 =	vld.idx.msk [tilespmem:v9+s16+$0x0], $0xffff;
	_ =	sdelay $0x2  }
0xb5: {  	s11 =	sadd.s32 $0x100, s11  }
0xb6: {  	p0 =	sne.s32 s11, $0x1900  }
.Ltmp0:
0xb7: {  	v9 =	vsub.f32 v63, v9;
	(pc) =	sbr.rel @p0 .LBB2_2-.Ltmp0, $3  }
0xb8: {  	_ = 	snop  }
0xb9: {  	v8 =	vadd.f32 v9, v8;
	_ =	sdelay $0x1  }
0xba: {  	s12 =	sadd.s32 $0x2000, s12;
	[tilespmem:$0x11100] =	vst v8  }
0xbb: {  	s5 =	simm.s32 $0x2  }
0xbc: {  	_ =	swait.ge [sflag:s5], $0x10000  }
0xbd: {  	[sflag:s5] =	ssyncset.done $0x0  }
0xbe: {  	s10 =	simm.s32 $0x11100;
	s12 =	rddreg [dreg:$0x14];
	[sflag:s5] =	ssyncadd.s32 $0xFFFF0000  }
0xbf: {  	[hbm4b:s12+s3] =	stream.linear.scatter [tilespmem:s10], [sflag:$0x3], $0x80, $0x38;
	[tilespmem:$0x11180] =	vst v63  }
0xc0: {  	s10 =	simm.s32 $0x3  }
0xc1: {  	_ =	swait.ge [sflag:s10], $0x80  }
0xc2: {  	s6 =	sadd.s32 $0x1, s6;
	s13 =	rddreg [dreg:$0x15]  }
0xc3: {  	p0 =	sne.s32 s6, s13  }
.Ltmp1:
0xc4: {  	_ = 	snop;
	(pc) =	sbr.rel @p0 .LBB2_1-.Ltmp1, $3  }
0xc5: {  	_ =	sdelay $0x1  }
0xc6: {  	[sflag:s10] =	ssyncset.done $0x0  }
0xc7: {  	[sflag:s10] =	ssyncadd.s32 $0xFFFFFF80  }
0xc8: {  	_ =	sfence.sel $0x180000  }
0xc9: {  	[bflag:$0x0] =	sbarrier.arrive $0xFFFF  }
0xca: {  	_ =	strace $0x90000047  }
0xcb: {  	s0 =	stileid.u32;
	[bflag:$0x2] =	sbarrier.arrive $0xFFFF  }
0xcc: {  	p0 =	sne.s32 s0, $0x0;
	s0 =	rddreg [dreg:$0x2]  }
0xcd: {  	s0 =	sadd.s32 @!p0 $0x100000, s0  }
0xce: {  	[sflag:s0] =	ssyncadd.tile.s32 @!p0 $0x1;
	_ =	shalt  }
.Lfunc_end2:
_tile_overlayer_lowered:
.L_overlay_start_2:
0xcf: {  	(tag) =	ssettag $0x2  }
0xd0: {  	s0 =	rddreg [dreg:$0x0];
	s2 =	stileid.u32  }
0xd1: {  	s1 =	rddreg [dreg:$0x1];
	p0 =	sne.s32 s2, $0x0  }
0xd2: {  	s3 =	rddreg [dreg:$0x2];
	[bflag:$0x3] =	sbarrier.arrive $0xFFFF;
	s2 =	simm.s32 @!p0 $0x1C03  }
0xd3: {  	[timem:s3], [sflag:s2] =	dma.local @!p0 [hbm:s0], s1  }
0xd4: {  	s0 =	simm.s32 @!p0 $0x3  }
0xd5: {  	_ =	swait.ge @!p0 [sflag:s0], s1  }
0xd6: {  	s1 =	ssub.s32 @!p0 $0x0, s1;
	[sflag:s0] =	ssyncset.done @!p0 $0x0  }
0xd7: {  	[sflag:s0] =	ssyncadd.s32 @!p0 s1  }
0xd8: {  	[bflag:$0x3] =	sbarrier.arrive $0xFFFF  }
0xd9: {  	_ =	shalt  }

// kernel: sparse-core-data-format-call.cloned.1.call-start
scs
called_computation_lowered:
.L_overlay_start_0:
0x0: {  	s2 =	sld [smem:$0x3FD9]  }
0x1: {  	s3 =	sld [smem:$0x3FFE];
	_ =	sdelay $0x1  }
0x2: {  	s1 =	srdreg.scid  }
0x3: {  	s0 =	sand.u32 $0x1, s1  }
0x4: {  	s15 =	sshll.u32 s0, $0xA;
	s2 =	sadd.s32 s3, s2  }
0x5: {  	s2 =	sadd.s32 s2, s15  }
0x6: {  	[smem:$0x3FC5] =	sst s2  }
0x7: {  	_ = 	snop  }
0x8: {  	s2 =	sld [smem:$0x3FD0];
	_ =	sdelay $0x2  }
0x9: {  	s16 =	simm.s32 $0xA;
	s4 =	simm.s32 $0x10  }
0xa: {  	[smem:s4], [sflag:s16] =	dma.local [hbm:s2], $0x1  }
0xb: {  	_ =	swait.eq [sflag:s16], $0x1  }
0xc: {  	[sflag:s16] =	ssyncset.done $0x0  }
0xd: {  	[sflag:s16] =	ssyncadd.s32 $0xFFFFFFFF  }
0xe: {  	s17 =	sld [smem:$0x10];
	(tm) =	ssettm $0x1  }
0xf: {  	s18 =	sld [smem:$0x3FFB];
	_ =	sdelay $0x3  }
0x10: {  	_ =	strace s18  }
0x11: {  	s3 =	sld [smem:$0x3FFC];
	_ =	sdelay $0x3  }
0x12: {  	_ =	strace s3  }
0x13: {  	s3 =	sld [smem:$0x3FFD];
	_ =	sdelay $0x3  }
0x14: {  	_ =	strace s3  }
0x15: {  	_ =	strace $0x8FFFFFFF  }
0x16: {  	s19 =	sld [smem:$0x3FDB];
	_ =	sdelay $0x1  }
0x17: {  	s20 =	simm.s32 $_scs_section_size  }
0x18: {  	s5 =	simm.s32 $_size__tile_overlayer_lowered;
	s6 =	simm.s32 $_tile_overlayer_lowered  }
0x19: {  	s23 =	simm.s32 $0x1BFF;
	s22 =	sshll.u32 s6, $0x1;
	s3 =	sadd.s32 s20, s19  }
0x1a: {  	s7 =	simm.s32 $0x0;
	s21 =	sshll.u32 s5, $0x1;
	s5 =	sadd.s32 s22, s3  }
0x1b: {  	[timem:s7], [sflag:s23] =	dma.local [hbm:s5], s21  }
0x1c: {  	_ =	swait.ge [sflag:s23], s21  }
0x1d: {  	s4 =	ssub.s32 $0x0, s21;
	[sflag:s23] =	ssyncset.done $0x0  }
0x1e: {  	[sflag:s23] =	ssyncadd.s32 s4;
	_ =	sdelay $0x1  }
0x1f: {  	s24 =	simm.s32 $0x1B8B  }
0x20: {  	_ =	swait.ge [sflag:s24], $0x1  }
0x21: {  	[sflag:s24] =	ssyncset.done $0x0  }
0x22: {  	s26 =	simm.s32 $0x1B8E;
	s25 =	sld [smem:$0x3FFE];
	[sflag:s24] =	ssyncadd.s32 $0xFFFFFFFF  }
0x23: {  	s27 =	simm.s32 $execute0_lowered;
	[smem:$0x3FD2] =	sst s26  }
0x24: {  	s5 =	sshll.u32 s27, $0x1;
	_ =	strace $0x80000049;
	[dreg:$0x1] =	wrdreg $0xFFFFFFFF  }
0x25: {  	s28 =	simm.s32 $_size_execute0_lowered;
	s3 =	sadd.s32 s3, s5;
	[dreg:$0x0] =	wrdreg $0x0  }
0x26: {  	s5 =	sshll.u32 s28, $0x1;
	[dreg:$0x2] =	wrdreg s3  }
0x27: {  	[dreg:$0x3] =	wrdreg s5  }
0x28: {  	[dreg:$0x4] =	wrdreg $0xC0  }
0x29: {  	_ =	task [dreg:s7], $0x5FFFF  }
0x2a: {  	[dreg:$0x1] =	wrdreg $0xFFFFFFFF  }
0x2b: {  	[dreg:$0x0] =	wrdreg $0x60  }
0x2c: {  	[dreg:$0x2] =	wrdreg s25  }
0x2d: {  	[dreg:$0x3] =	wrdreg s17  }
0x2e: {  	[dreg:$0x4] =	wrdreg $0x9  }
0x2f: {  	_ =	task.clear_ibuf [dreg:s7], $0x5FFFF;
	_ =	strace $0x90000049  }
0x30: {  	s29 =	simm.s32 $0x9;
	_ =	strace $0x8000004B  }
0x31: {  	_ =	swait.ge [sflag:s29], $0x1  }
0x32: {  	[sflag:s29] =	ssyncadd.s32 $0xFFFFFFFF  }
0x33: {  	_ =	strace $0x9000004B  }
0x34: {  	_ =	sfence  }
0x35: {  	s30 =	sld [smem:$0x0];
	_ =	sdelay $0x2  }
0x36: {  	s31 =	sshll.u32 s1, $0xD;
	s1 =	sshrl.u32 s1, $0x2  }
0x37: {  	s3 =	sand.u32 $0x4000, s31;
	s1 =	sadd.s32 s1, s30  }
0x38: {  	s0 =	sor.u32 s3, s0;
	s1 =	sshll.u32 s1, $0x11  }
0x39: {  	s0 =	sor.u32 s1, s0  }
0x3a: {  	s0 =	sadd.s32 $0x8F2B, s0  }
0x3b: {  	[sflag:s0] =	ssyncadd.remote.s32 $0x1  }
0x3c: {  	_ =	sfence.sel $0xFFFF  }
0x3d: {  	[dreg:$0x0] =	wrdreg $0xFFFFFFFF;
	(pc) =	sbr.abs _section_cstart, $3  }
0x3e: {  	[dreg:$0x1] =	wrdreg $0xFFFFFFFF  }
0x3f: {  	_ =	task.clear_ibuf [dreg:s7], $0x2FFFF;
	_ =	strace $0x9FFFFFFF  }
0x40: {  	(tm) =	ssettm $0x7FFFFFFF  }
0x41: {  	_ =	shalt  }
tec
execute0_lowered:
.L_overlay_start_1:
0x0: {  	(tag) =	ssettag $0x1  }
0x1: {  	s4 =	rddreg [dreg:$0x0]  }
0x2: {  	s2 =	rddreg [dreg:$0x1];
	s1 =	stileid.u32  }
0x3: {  	s3 =	srdreg.scid;
	s0 =	rddreg [dreg:$0x2];
	_ =	strace $0x8000004A  }
0x4: {  	s10 =	simm.s32 $0x2;
	s14 =	simm.s32 $0x0;
	s16 =	simm.s32 $0x0  }
0x5: {  	s12 =	simm.s32 $0x0;
	s15 =	simm.s32 $0x0;
	s3 =	sshll.u32 s3, $0x4  }
0x6: {  	s5 =	sshll.u32 s1, $0x7;
	s4 =	sadd.s32 $0x4200, s4;
	s6 =	sand.u32 $0x10, s3  }
0x7: {  	s3 =	sand.u32 $0x180, s5;
	s5 =	simm.s32 $0x1;
	s8 =	sor.u32 s1, s6  }
0x8: {  	s31 =	ssub.s32 $0xC800, s3;
	[sflag:s5] =	ssyncpa.u1 $0x0;
	s13 =	smov.u32 s3  }
.Ltmp0:
0x9: {  	s7 =	sshll.u32 s8, $0x5;
	s9 =	sand.u32 $0x180, s31;
	(pc) =	sbr.rel .LBB1_1-.Ltmp0, $4  }
0xa: {  	s11 =	sshrl.u32 s31, $0x9;
	p0 =	sne.s32 s9, $0x0;
	s9 =	simm.s32 $0x1  }
0xb: {  	[sflag:s10] =	ssyncpa.u1 $0x0;
	s8 =	sshll.u32 s8, $0x8;
	s9 =	simm.s32 @!p0 $0x0  }
0xc: {  	s10 =	simm.s32 $0x64000;
	s6 =	sand.u32 $0x380, s7;
	s7 =	sadd.s32 s9, s11  }
0xd: {  	p0 =	por $0x0, $0x0;
	s11 =	simm.s32 $0x0;
	s9 =	sadd.s32 $0x1, s7  }
.LBB1_4:
0xe: {  	s22 =	sshrl.u32 s11, $0x3  }
0xf: {  	s23 =	sshll.u32 s12, $0x3;
	s24 =	sand.u32 $0x7F, s12;
	s22 =	smul.u32 $0x64000, s22  }
0x10: {  	v5 =	vld [tilespmem:s18+$0xFFFFFFD0];
	s21 =	sshra.s32 s21, $0x2;
	s25 =	sshra.s32 s12, $0x1F;
	s23 =	sand.u32 $0xFFFFFC00, s23  }
0x11: {  	[tilespmem:s20+$0x2040 ss:$0x81] =	vst.msk $0xffff, v4;
	v58 =	vld [tilespmem:s18+$0xFFFFFFE0];
	p1 =	sgt.s32 s12, $0xC780;
	s25 =	sand.u32 s25, s12;
	s22 =	sadd.s32 s23, s22  }
0x12: {  	[tilespmem:s20+$0x2850 ss:$0x81] =	vst.msk $0xffff, v3;
	v59 =	vld [tilespmem:s18+$0xFFFFFFF0];
	s23 =	sor.u32 s24, s22;
	s22 =	smulhi.u32 $0x51EB851F, s22;
	s24 =	smov.u32 s12  }
0x13: {  	[tilespmem:s20+$0x3060 ss:$0x81] =	vst.msk $0xffff, v2;
	v60 =	vld [tilespmem:s18+$0x0];
	s19 =	sadd.s32 s21, s19;
	s26 =	smulhi.u32 $0x51EB851F, s23;
	s24 =	simm.s32 @!p1 $0xC780  }
0x14: {  	[tilespmem:s20+$0x0 ss:$0x81] =	vst.msk $0xffff, v0;
	v61 =	vld [tilespmem:s18+$0x10];
	p1 =	sgt.s32 s11, $0x368;
	s28 =	sshrl.u32 s22, $0xE;
	s29 =	ssub.s32 s24, s25  }
0x15: {  	[tilespmem:s19+$0x3870 ss:$0x81] =	vst.msk $0xffff, v1;
	s30 =	sshrl.u32 s26, $0xE;
	s31 =	smulhi.u32 $0x418938, s28;
	s25 =	sadd.s32 $0xFFFF3880, s29  }
0x16: {  	v62 =	vld [tilespmem:s18+$0x20];
	[tilespmem:s19+$0x810 ss:$0x81] =	vst.msk $0xffff, v5;
	s22 =	smul.u32 $0xC800, s30;
	p2 =	sgt.s32 s25, $0x7F;
	s25 =	smov.u32 s11  }
0x17: {  	v63 =	vld [tilespmem:s18+$0xFFFFFFC0];
	[tilespmem:s19+$0x1020 ss:$0x81] =	vst.msk $0xffff, v58;
	s21 =	ssub.s32 $0xC800, s29;
	s25 =	simm.s32 @!p1 $0x368;
	s26 =	smul.u32 $0x3E8, s31  }
0x18: {  	[tilespmem:s19+$0x1830 ss:$0x81] =	vst.msk $0xffff, v59;
	s21 =	simm.s32 @p2 $0x0;
	s27 =	ssub.s32 $0x3E8, s25  }
0x19: {  	[tilespmem:s19+$0x2040 ss:$0x81] =	vst.msk $0xffff, v60;
	s22 =	ssub.s32 s23, s22;
	s18 =	ssub.s32 s28, s26;
	s28 =	smul.u32 s27, s21  }
0x1a: {  	[tilespmem:s19+$0x2850 ss:$0x81] =	vst.msk $0xffff, v61;
	s29 =	sshrl.u32 s22, $0x3;
	s22 =	sand.u32 $0x7, s22;
	s18 =	smul.u32 $0x1900, s18  }
0x1b: {  	[tilespmem:s19+$0x3060 ss:$0x81] =	vst.msk $0xffff, v62;
	s21 =	sadd.s32 s2, s29;
	s22 =	sshll.u32 s22, $0x12  }
0x1c: {  	[tilespmem:s19+$0x0 ss:$0x81] =	vst.msk $0xffff, v63;
	s30 =	sand.u32 $0x3FFFFFF8, s28;
	s31 =	sor.u32 $0x400, s22;
	s18 =	sadd.s32 s18, s21  }
0x1d: {  	[hbm4b:s18+s31] =	stream.strided.scatter [tilespmem:s17], [sflag:$0x2], s30, s10, s31, $0x20;
	[tilespmem:$0x10100] =	vst v63  }
.LBB1_5:
0x1e: {  	p1 =	slt.u32 s15, $0x2  }
0x1f: {  	p2 =	sgt.s32 @!p1 s16, $0xC780  }
0x20: {  	s17 =	smov.u32 s16;
	s18 =	sshra.s32 @!p1 s16, $0x1F;
	p2 =	por !p2, p1  }
0x21: {  	s16 =	sand.u32 @!p1 s18, s16;
	s17 =	simm.s32 @p2 $0xC780  }
0x22: {  	s16 =	ssub.s32 @!p1 s17, s16  }
0x23: {  	p2 =	sgt.s32 @!p1 s14, $0x368;
	s17 =	sadd.s32 @!p1 $0xFFFF3880, s16  }
0x24: {  	s18 =	sadd.s32 $0x200, s13;
	p2 =	por !p2, p1;
	p3 =	sgt.s32 @!p1 s17, $0x7F  }
0x25: {  	s14 =	simm.s32 @p2 $0x368;
	s16 =	ssub.s32 @!p1 $0xC800, s16;
	p2 =	por !p3, p1  }
0x26: {  	s14 =	ssub.s32 @!p1 $0x3E8, s14;
	s16 =	simm.s32 @!p2 $0x0;
	p2 =	sgt.s32 s18, $0xC7FF  }
0x27: {  	s14 =	smul.u32 @!p1 s14, s16;
	s18 =	smov.u32 @p2 s3;
	p2 =	sne.s32 s15, s9  }
.Ltmp1:
0x28: {  	s20 =	sadd.s32 $0x1, s15;
	p0 =	por !p0, !p0;
	(pc) =	sbr.rel @!p2 .LBB1_6-.Ltmp1, $4  }
0x29: {  	s17 =	simm.s32 @!p1 $0x2;
	s16 =	smov.u32 s12;
	s14 =	sand.u32 @!p1 $0x3FFFFFFF, s14  }
0x2a: {  	s12 =	smov.u32 s13;
	s15 =	smov.u32 s20;
	_ =	swait.ge @!p1 [sflag:s17], s14  }
0x2b: {  	s13 =	smov.u32 s18;
	s19 =	ssub.s32 @!p1 $0x0, s14;
	[sflag:s17] =	ssyncset.done @!p1 $0x0  }
0x2c: {  	s14 =	smov.u32 s11;
	s11 =	smov.u32 s6;
	[sflag:s17] =	ssyncadd.s32 @!p1 s19  }
.LBB1_1:
0x2d: {  	p1 =	sge.u32 s15, s7  }
0x2e: {  	s17 =	sshll.u32 @!p1 s13, $0xA  }
0x2f: {  	s17 =	sand.u32 @!p1 $0xFFFFE000, s17  }
0x30: {  	s17 =	sor.u32 @!p1 s8, s17  }
0x31: {  	s17 =	sshrl.u32 @!p1 s17, $0xA  }
0x32: {  	s18 =	smulhi.u32 @!p1 $0x28F5C3, s17;
	_ =	sdelay $0x1  }
0x33: {  	s18 =	sshrl.u32 @!p1 s18, $0x5  }
0x34: {  	s18 =	smul.u32 @!p1 $0xC800, s18  }
0x35: {  	s31 =	sadd.s32 $0xFFFFFFFF, s15;
	s19 =	sxor.u32 @!p1 $0xFFFFFFFF, s15;
	s20 =	sshll.u32 @!p1 s13, $0x4  }
0x36: {  	s19 =	sshll.u32 @!p1 s19, $0xE;
	s17 =	ssub.s32 @!p1 s17, s18;
	s18 =	sand.u32 @!p1 $0x70, s20  }
0x37: {  	s19 =	sand.u32 @!p1 $0x4000, s19;
	s17 =	sshll.u32 @!p1 s17, $0x7;
	s18 =	sadd.s32 @!p1 s4, s18  }
0x38: {  	s20 =	simm.s32 @!p1 $0x2000;
	s17 =	sadd.s32 @!p1 s17, s18;
	s18 =	simm.s32 @!p1 $0x400  }
0x39: {  	[tilespmem:s19], [sflag:$0x1] =	stream.strided.gather @!p1 [hbm4b:s17+s18], $0x4000, s20, s18, $0x38;
	[tilespmem:$0x10100] =	vst v63  }
0x3a: {  	p1 =	sge.u32 s31, s7  }
.Ltmp2:
0x3b: {  	_ = 	snop;
	(pc) =	sbr.rel @p1 .LBB1_5-.Ltmp2, $1  }
0x3c: {  	_ =	sdelay $0x3  }
0x3d: {  	s17 =	simm.s32 $0x1  }
0x3e: {  	_ =	swait.ge [sflag:s5], $0x4000;
	s17 =	simm.s32 @!p0 $0x0  }
0x3f: {  	[sflag:s5] =	ssyncset.done $0x0;
	s18 =	sshll.u32 s17, $0xE  }
0x40: {  	[sflag:s5] =	ssyncadd.s32 $0xFFFFC000;
	s18 =	sor.u32 $0x40, s18  }
0x41: {  	s17 =	smul.u32 $0x10200, s17;
	v0 =	vld [tilespmem:s18+$0x30]  }
0x42: {  	v1 =	vld [tilespmem:s18+$0xFFFFFFD0]  }
0x43: {  	s17 =	sshrl.u32 s17, $0x2;
	v5 =	vld [tilespmem:s18+$0xFFFFFFE0]  }
0x44: {  	v6 =	vld [tilespmem:s18+$0xFFFFFFF0];
	s19 =	sor.u32 $0x8000, s17  }
0x45: {  	s31 =	sand.u32 $0x1, s15;
	v4 =	vld [tilespmem:s18+$0x0];
	s20 =	sadd.s32 $0x0, s19  }
0x46: {  	v3 =	vld [tilespmem:s18+$0x10];
	s17 =	smul.u32 $0x10200, s31;
	[tilespmem:s20+$0x3870 ss:$0x81] =	vst.msk $0xffff, v0  }
0x47: {  	v2 =	vld [tilespmem:s18+$0x20];
	[tilespmem:s20+$0x810 ss:$0x81] =	vst.msk $0xffff, v1  }
0x48: {  	s17 =	sshrl.u32 s17, $0x2;
	v0 =	vld [tilespmem:s18+$0xFFFFFFC0];
	[tilespmem:s20+$0x1020 ss:$0x81] =	vst.msk $0xffff, v5;
	s18 =	sadd.s32 $0x80, s18  }
0x49: {  	s21 =	simm.s32 $0x4;
	s22 =	simm.s32 $0x8;
	s17 =	sor.u32 $0x8000, s17;
	[tilespmem:s20+$0x1830 ss:$0x81] =	vst.msk $0xffff, v6;
	v1 =	vld [tilespmem:s18+$0x30]  }
.LBB1_3:
0x4a: {  	p1 =	sne.s32 s22, $0x1FC;
	v5 =	vld [tilespmem:s18+$0xFFFFFFD0];
	[tilespmem:s20+$0x2040 ss:$0x81] =	vst.msk $0xffff, v4  }
0x4b: {  	v6 =	vld [tilespmem:s18+$0xFFFFFFE0];
	[tilespmem:s20+$0x2850 ss:$0x81] =	vst.msk $0xffff, v3  }
0x4c: {  	s23 =	sshra.s32 s21, $0x2;
	s21 =	smov.u32 s22;
	v7 =	vld [tilespmem:s18+$0xFFFFFFF0];
	[tilespmem:s20+$0x3060 ss:$0x81] =	vst.msk $0xffff, v2  }
.Ltmp3:
0x4d: {  	v4 =	vld [tilespmem:s18+$0x0];
	[tilespmem:s20+$0x0 ss:$0x81] =	vst.msk $0xffff, v0;
	s20 =	sadd.s32 s23, s19;
	(pc) =	sbr.rel @p1 .LBB1_3-.Ltmp3, $4  }
0x4e: {  	v3 =	vld [tilespmem:s18+$0x10];
	[tilespmem:s20+$0x3870 ss:$0x81] =	vst.msk $0xffff, v1  }
0x4f: {  	[tilespmem:s20+$0x810 ss:$0x81] =	vst.msk $0xffff, v5;
	v2 =	vld [tilespmem:s18+$0x20]  }
0x50: {  	v0 =	vld [tilespmem:s18+$0xFFFFFFC0];
	[tilespmem:s20+$0x1020 ss:$0x81] =	vst.msk $0xffff, v6;
	s18 =	sadd.s32 $0x80, s18  }
0x51: {  	s22 =	sadd.s32 $0x4, s22;
	v1 =	vld [tilespmem:s18+$0x30];
	[tilespmem:s20+$0x1830 ss:$0x81] =	vst.msk $0xffff, v7  }
.Ltmp4:
0x52: {  	_ = 	snop;
	(pc) =	sbr.rel .LBB1_4-.Ltmp4, $1  }
0x53: {  	_ =	sdelay $0x3  }
.LBB1_6:
0x54: {  	_ =	sfence.sel $0x180000  }
0x55: {  	s2 =	simm.s32 $0x1;
	[bflag:$0x0] =	sbarrier.arrive $0xFFFF  }
0x56: {  	s31 =	simm.s32 $0x2;
	[sflag:s2] =	ssyncpa.u1 $0x1  }
0x57: {  	[sflag:s31] =	ssyncpa.u1 $0x1  }
0x58: {  	p0 =	sne.s32 s1, $0x0;
	_ =	strace $0x9000004A  }
0x59: {  	s0 =	sadd.s32 @!p0 $0x100000, s0;
	[bflag:$0x2] =	sbarrier.arrive $0xFFFF  }
0x5a: {  	[sflag:s0] =	ssyncadd.tile.s32 @!p0 $0x1;
	_ =	shalt  }
.Lfunc_end1:
_tile_overlayer_lowered:
.L_overlay_start_2:
0x5b: {  	(tag) =	ssettag $0x2  }
0x5c: {  	s0 =	rddreg [dreg:$0x0];
	s2 =	stileid.u32  }
0x5d: {  	s1 =	rddreg [dreg:$0x1];
	p0 =	sne.s32 s2, $0x0  }
0x5e: {  	s3 =	rddreg [dreg:$0x2];
	[bflag:$0x3] =	sbarrier.arrive $0xFFFF;
	s2 =	simm.s32 @!p0 $0x1C01  }
0x5f: {  	[timem:s3], [sflag:s2] =	dma.local @!p0 [hbm:s0], s1  }
0x60: {  	s0 =	simm.s32 @!p0 $0x1  }
0x61: {  	_ =	swait.ge @!p0 [sflag:s0], s1  }
0x62: {  	s1 =	ssub.s32 @!p0 $0x0, s1;
	[sflag:s0] =	ssyncset.done @!p0 $0x0  }
0x63: {  	[sflag:s0] =	ssyncadd.s32 @!p0 s1  }
0x64: {  	[bflag:$0x3] =	sbarrier.arrive $0xFFFF  }
0x65: {  	_ =	shalt  }

</sc_bundles>
